<compile_context>
chip_gen: v7x
topology: tpu7x:2x2x1
jax: 0.10.2.dev20260603
libtpu: 0.0.44.dev20260713+nightly
codegen_flags: <defaults>
</compile_context>

<pallas_src>
import functools

import jax
import jax.numpy as jnp
from jax import lax
from jax.experimental import pallas as pl
from jax.experimental.pallas import tpu as pltpu
from jax.experimental.pallas import tpu_sc as plsc

NC = 2
NS = 16
L = 16
MAX_RISK = 5.0

_F32 = jnp.float32


def _sc_mesh():
    return plsc.VectorSubcoreMesh(
        core_axis_name="c", subcore_axis_name="s", num_cores=NC, num_subcores=NS
    )


def _npad(n):
    return ((n + 1023) // 1024) * 1024


def _make_sc_pass(n, e, h, with_gather):
    nw = NC * NS
    ew = e // nw
    k = 80
    c = ew // k
    np_ = _npad(n)
    rs = np_ // NS
    rw = k
    nr = rs // rw
    assert rs % rw == 0 and c % 2 == 1 and c >= 3

    scratch = [
        pltpu.VMEM((c, k), jnp.int32),
        pltpu.VMEM((rw,), jnp.int32),
        pltpu.VMEM((k, h), _F32),
        pltpu.VMEM((k, h), _F32),
        pltpu.VMEM_SHARED((np_, h), _F32),
        pltpu.SemaphoreType.DMA,
        pltpu.SemaphoreType.DMA,
        pltpu.SemaphoreType.DMA,
    ]
    if with_gather:
        scratch.insert(0, pltpu.VMEM((ew,), jnp.int32))
        scratch.append(pltpu.SemaphoreType.DMA)
        scratch.append(pltpu.SemaphoreType.DMA)

    def body(*refs):
        if with_gather:
            (y_hbm, src_hbm, dst3_hbm, out_hbm,
             src_all, dst2_v, rix_v, rows_v0, rows_v1,
             acc_sh, sem, ssem0, ssem1, gsem0, gsem1) = refs
        else:
            (dst3_hbm, out_hbm,
             dst2_v, rix_v, rows_v0, rows_v1,
             acc_sh, sem, ssem0, ssem1) = refs
        ci = lax.axis_index("c")
        si = lax.axis_index("s")
        wid = si * NC + ci

        pltpu.sync_copy(dst3_hbm.at[wid], dst2_v)
        if with_gather:
            pltpu.sync_copy(src_hbm.at[pl.ds(wid * ew, ew)], src_all)

        zbuf = rows_v0 if with_gather else rows_v1

        def fill_zero(i, carry):
            for j in range(h // L):
                zbuf[i, pl.ds(j * L, L)] = jnp.zeros((L,), _F32)
            return carry

        lax.fori_loop(0, rw, fill_zero, 0)

        if not with_gather:
            def fill_ones(i, carry):
                for j in range(h // L):
                    rows_v0[i, pl.ds(j * L, L)] = jnp.ones((L,), _F32)
                return carry

            lax.fori_loop(0, k, fill_ones, 0)

        def fill_rix(base):
            def fbody(j, carry):
                rix_v[pl.ds(j * L, L)] = base + j * L + lax.iota(jnp.int32, L)
                return carry
            lax.fori_loop(0, rw // L, fbody, 0)

        def zero_acc(r, carry):
            fill_rix(si * rs + r * rw)
            pltpu.sync_copy(zbuf, acc_sh.at[rix_v])
            return carry

        lax.fori_loop(0, nr, zero_acc, 0)
        plsc.subcore_barrier()

        if with_gather:
            def gsrc(cidx):
                return y_hbm.at[src_all.at[pl.ds(cidx * k, k)]]

            pltpu.async_copy(gsrc(0), rows_v0, gsem0)

            def chunk2(j, carry):
                c0 = 2 * j
                c1 = 2 * j + 1
                cn = 2 * j + 2
                pltpu.make_async_copy(gsrc(c0), rows_v0, gsem0).wait()
                pltpu.async_copy(gsrc(c1), rows_v1, gsem1)
                pltpu.async_copy(
                    rows_v0, acc_sh.at[dst2_v.at[c0]], ssem0, add=True)
                pltpu.make_async_copy(gsrc(c1), rows_v1, gsem1).wait()
                pltpu.async_copy(
                    rows_v1, acc_sh.at[dst2_v.at[c1]], ssem1, add=True)
                pltpu.make_async_copy(
                    rows_v0, acc_sh.at[dst2_v.at[c0]], ssem0).wait()
                pltpu.async_copy(gsrc(cn), rows_v0, gsem0)
                pltpu.make_async_copy(
                    rows_v1, acc_sh.at[dst2_v.at[c1]], ssem1).wait()
                return carry

            lax.fori_loop(0, (c - 1) // 2, chunk2, 0)
            pltpu.make_async_copy(gsrc(c - 1), rows_v0, gsem0).wait()
            pltpu.sync_copy(rows_v0, acc_sh.at[dst2_v.at[c - 1]], add=True)
        else:
            def chunk2(j, carry):
                c0 = 2 * j
                c1 = 2 * j + 1
                pltpu.async_copy(
                    rows_v0, acc_sh.at[dst2_v.at[c0]], ssem0, add=True)
                pltpu.async_copy(
                    rows_v0, acc_sh.at[dst2_v.at[c1]], ssem1, add=True)
                pltpu.make_async_copy(
                    rows_v0, acc_sh.at[dst2_v.at[c0]], ssem0).wait()
                pltpu.make_async_copy(
                    rows_v0, acc_sh.at[dst2_v.at[c1]], ssem1).wait()
                return carry

            lax.fori_loop(0, (c - 1) // 2, chunk2, 0)
            pltpu.sync_copy(rows_v0, acc_sh.at[dst2_v.at[c - 1]], add=True)
        plsc.subcore_barrier()

        def write_back(r, carry):
            off = si * rs + r * rw
            fill_rix(off)
            pltpu.async_copy(acc_sh.at[rix_v], zbuf, sem).wait()
            pltpu.sync_copy(zbuf, out_hbm.at[ci, pl.ds(off, rw)])
            return carry

        lax.fori_loop(0, nr, write_back, 0)

    return pl.kernel(
        body,
        out_type=jax.ShapeDtypeStruct((NC, np_, h), _F32),
        mesh=_sc_mesh(),
        scratch_types=scratch,
    )


def _dst3(dst, e):
    return dst.reshape(NC * NS, -1, 80)


@functools.partial(jax.jit, static_argnames=("n", "e", "h"))
def _sc_degrees(dst, *, n, e, h):
    return _make_sc_pass(n, e, h, with_gather=False)(_dst3(dst, e))


@functools.partial(jax.jit, static_argnames=("n", "e", "h"))
def _sc_edge_sum(y, src, dst, *, n, e, h):
    return _make_sc_pass(n, e, h, with_gather=True)(y, src, _dst3(dst, e))


def _dot(a, b):
    return lax.dot_general(
        a, b, (((1,), (0,)), ((), ())),
        preferred_element_type=_F32,
    )


def _tc_first(dinv2d, x, w0):
    n, d = x.shape
    h = w0.shape[1]

    def body(dinv_ref, x_ref, w_ref, dinvb_ref, y_ref):
        dinvb = jnp.broadcast_to(dinv_ref[...], (n, h))
        dinvb_ref[...] = dinvb
        y_ref[...] = dinvb * _dot(x_ref[...], w_ref[...])

    return pl.pallas_call(
        body,
        out_shape=[
            jax.ShapeDtypeStruct((n, h), _F32),
            jax.ShapeDtypeStruct((n, h), _F32),
        ],
    )(dinv2d, x, w0)


def _tc_mid(partials, y, dinvb, brow, wnext):
    n, h = y.shape

    def body(p_ref, y_ref, dinv_ref, b_ref, w_ref, ynext_ref):
        p = p_ref[...]
        hcur = jnp.maximum(
            (p[0, :n] + p[1, :n] + y_ref[...]) * dinv_ref[...] + b_ref[...],
            0.0)
        ynext_ref[...] = dinv_ref[...] * _dot(hcur, w_ref[...])

    return pl.pallas_call(
        body, out_shape=jax.ShapeDtypeStruct((n, h), _F32),
    )(partials, y, dinvb, brow, wnext)


def _tc_head(partials, y, dinvb, brow, batch2d, g,
             w1, b1row, w2, b2row, w3, b3row):
    n, h = y.shape

    def body(p_ref, y_ref, dinv_ref, b_ref, bat_ref,
             w1_ref, b1_ref, w2_ref, b2_ref, w3_ref, b3_ref, out_ref,
             gmp_ref):
        p = p_ref[...]
        hh = jnp.maximum(
            (p[0, :n] + p[1, :n] + y_ref[...]) * dinv_ref[...] + b_ref[...],
            0.0)
        bat = bat_ref[...]
        gids = lax.broadcasted_iota(jnp.int32, (n, g), 1)
        mask = (bat == gids).astype(_F32)
        sums = lax.dot_general(
            mask, hh, (((0,), (0,)), ((), ())),
            preferred_element_type=_F32, precision=lax.Precision.HIGHEST)
        cnts = lax.dot_general(
            mask, jnp.ones((n, 1), _F32), (((0,), (0,)), ((), ())),
            preferred_element_type=_F32, precision=lax.Precision.HIGHEST)

        def gstep(gi, carry):
            m = jnp.where(bat == gi, hh, -3.0e38)
            gmp_ref[pl.ds(gi, 1), :] = jnp.max(m, axis=0)[None, :]
            return carry

        lax.fori_loop(0, g, gstep, 0)
        gmp = jnp.where(cnts > 0.0, gmp_ref[...], 0.0)
        gap = sums / jnp.maximum(cnts, 1.0)
        z = jnp.concatenate([gmp, gap], axis=1)
        z = jnp.maximum(_dot(z, w1_ref[...]) + b1_ref[...], 0.0)
        z = jnp.maximum(_dot(z, w2_ref[...]) + b2_ref[...], 0.0)
        z = _dot(z, w3_ref[...]) + b3_ref[...]
        out_ref[...] = jnp.where(z > MAX_RISK, MAX_RISK, z)

    return pl.pallas_call(
        body, out_shape=jax.ShapeDtypeStruct((g, w3.shape[1]), _F32),
        scratch_shapes=[pltpu.VMEM((g, h), _F32)],
    )(partials, y, dinvb, brow, batch2d, w1, b1row, w2, b2row, w3, b3row)


def kernel(x, edge_index, batch, Wg0, bg0, Wg1, bg1, Wg2, bg2,
           W1, b1, W2, b2, W3, b3):
    n, d = x.shape
    e = edge_index.shape[1]
    h = Wg0.shape[1]
    g = 64

    src = edge_index[0]
    dst = edge_index[1]
    batch2d = batch[:, None]

    deg2 = _sc_degrees(dst, n=n, e=e, h=h)
    deg = deg2[0, :n, 0] + deg2[1, :n, 0] + 1.0
    dinv = jnp.where(deg > 0, deg ** -0.5, 0.0)
    dinvb, y0 = _tc_first(dinv[:, None], x, Wg0)

    p0 = _sc_edge_sum(y0, src, dst, n=n, e=e, h=h)
    y1 = _tc_mid(p0, y0, dinvb, bg0[None, :], Wg1)

    p1 = _sc_edge_sum(y1, src, dst, n=n, e=e, h=h)
    y2 = _tc_mid(p1, y1, dinvb, bg1[None, :], Wg2)

    p2 = _sc_edge_sum(y2, src, dst, n=n, e=e, h=h)
    return _tc_head(p2, y2, dinvb, bg2[None, :], batch2d, g,
                    W1, b1[None, :], W2, b2[None, :], W3, b3[None, :])

# --- scband reference (transcript-rebuilt; emitter-appended) ---
"""Pipeline reference for scband-basic-graph-conv-net-4741643895543 (READ-ONLY COPY).

The authoritative reference and input builder live on the scoring server;
editing this copy changes nothing except your own understanding.
"""

import jax, jax.numpy as jnp
import numpy as np

N = 10000
E = 320000
D = 128
H = 128
OUT = 1
G = 64
MAX_RISK = 5.0


def setup_inputs(seed: int = 0) -> dict:
    key = jax.random.key(seed)
    ks = jax.random.split(key, 20)
    x = jax.random.normal(ks[0], (N, D), dtype=jnp.float32)
    edge_index = jax.random.randint(ks[1], (2, E), 0, N, dtype=jnp.int32)
    batch = jnp.sort(jax.random.randint(ks[2], (N,), 0, G, dtype=jnp.int32))
    s = 0.05
    Wg0 = jax.random.normal(ks[3], (D, H), dtype=jnp.float32) * s
    bg0 = jnp.zeros((H,), dtype=jnp.float32)
    Wg1 = jax.random.normal(ks[4], (H, H), dtype=jnp.float32) * s
    bg1 = jnp.zeros((H,), dtype=jnp.float32)
    Wg2 = jax.random.normal(ks[5], (H, H), dtype=jnp.float32) * s
    bg2 = jnp.zeros((H,), dtype=jnp.float32)
    W1 = jax.random.normal(ks[6], (2 * H, H), dtype=jnp.float32) * s
    b1 = jnp.zeros((H,), dtype=jnp.float32)
    W2 = jax.random.normal(ks[7], (H, H // 2), dtype=jnp.float32) * s
    b2 = jnp.zeros((H // 2,), dtype=jnp.float32)
    W3 = jax.random.normal(ks[8], (H // 2, OUT), dtype=jnp.float32) * s
    b3 = jnp.zeros((OUT,), dtype=jnp.float32)
    return {"x": x, "edge_index": edge_index, "batch": batch,
            "Wg0": Wg0, "bg0": bg0, "Wg1": Wg1, "bg1": bg1, "Wg2": Wg2, "bg2": bg2,
            "W1": W1, "b1": b1, "W2": W2, "b2": b2, "W3": W3, "b3": b3}


def _gcn_conv(x, src, dst, W, b):
    # GCNConv with self-loops and symmetric normalization D^-1/2 (A+I) D^-1/2 X W + b
    n = x.shape[0]
    loop = jnp.arange(n, dtype=src.dtype)
    s = jnp.concatenate([src, loop])
    d = jnp.concatenate([dst, loop])
    ones = jnp.ones((s.shape[0],), dtype=x.dtype)
    deg = jax.ops.segment_sum(ones, d, num_segments=n)
    dinv = jnp.where(deg > 0, deg ** -0.5, 0.0)
    norm = dinv[s] * dinv[d]
    xw = x @ W
    msg = xw[s] * norm[:, None]
    out = jax.ops.segment_sum(msg, d, num_segments=n)
    return out + b


def reference(x, edge_index, batch, Wg0, bg0, Wg1, bg1, Wg2, bg2, W1, b1, W2, b2, W3, b3):
    src = edge_index[0]
    dst = edge_index[1]
    h = jax.nn.relu(_gcn_conv(x, src, dst, Wg0, bg0))
    h = jax.nn.relu(_gcn_conv(h, src, dst, Wg1, bg1))
    h = jax.nn.relu(_gcn_conv(h, src, dst, Wg2, bg2))
    # global max pool
    gmp = jax.ops.segment_max(h, batch, num_segments=G)
    gmp = jnp.where(jnp.isfinite(gmp), gmp, 0.0)
    # global average pool
    sums = jax.ops.segment_sum(h, batch, num_segments=G)
    cnts = jax.ops.segment_sum(jnp.ones((h.shape[0],), dtype=h.dtype), batch, num_segments=G)
    gap = sums / jnp.maximum(cnts, 1.0)[:, None]
    z = jnp.concatenate([gmp, gap], axis=1)
    z = jax.nn.relu(z @ W1 + b1)
    # dropout p=0.0 (inference) -> identity
    z = jax.nn.relu(z @ W2 + b2)
    z = z @ W3 + b3
    z = jnp.where(z > MAX_RISK, MAX_RISK, z)
    return z

if __name__ == "__main__":
    import jax
    _d = setup_inputs()
    print(jax.jit(kernel)(*tuple(_d.values())))

</pallas_src>

<mosaic_0001>
#map = affine_map<(d0, d1) -> (0, 0, 0)>
module attributes {stable_mosaic.version = 14 : i64} {
  func.func @body(%arg0: i32, %arg1: i32, %arg2: memref<32x125x80xi32, #tpu.memory_space<hbm>>, %arg3: memref<2x10240x128xf32, #tpu.memory_space<hbm>>, %arg4: memref<125x80xi32, #tpu.memory_space<vmem>>, %arg5: memref<80xi32, #tpu.memory_space<vmem>>, %arg6: memref<80x128xf32, #tpu.memory_space<vmem>>, %arg7: memref<80x128xf32, #tpu.memory_space<vmem>>, %arg8: memref<10240x128xf32, #tpu.memory_space<vmem_shared>>, %arg9: memref<!tpu.dma_semaphore, #tpu.memory_space<semaphore_mem>>, %arg10: memref<!tpu.dma_semaphore, #tpu.memory_space<semaphore_mem>>, %arg11: memref<!tpu.dma_semaphore, #tpu.memory_space<semaphore_mem>>) attributes {dimension_semantics = [#tpu.dimension_semantics<core_parallel>, #tpu.dimension_semantics<subcore_parallel>], iteration_bounds = array<i64: 2, 16>, scalar_prefetch = 0 : i64, scratch_operands = 8 : i64, tpu.core_type = #tpu.core_type<sc_vector_subcore>, window_params = [{transform_indices = #map}, {transform_indices = #map}]} {
    %mul3A = arith.constant 2 : i32
    %mul3A_0 = arith.muli %arg1, %mul3A : i32
    %add3A = arith.addi %mul3A_0, %arg0 : i32
    "tpu.region"() ({
      %run_scoped3A_31 = tpu.sem_alloc : memref<!tpu.dma_semaphore, #tpu.memory_space<semaphore_mem>>
      %dma_start3A = arith.constant 0 : i32
      %dma_start3A_32 = arith.constant 0 : i32
      %dma_start3A_33 = tpu.memref_slice %arg2[%add3A, %dma_start3A, %dma_start3A_32] : memref<32x125x80xi32, #tpu.memory_space<hbm>> -> memref<1x125x80xi32, #tpu.memory_space<hbm>>
      %dma_start3A_34 = tpu.memref_squeeze %dma_start3A_33 : memref<1x125x80xi32, #tpu.memory_space<hbm>> -> memref<125x80xi32, #tpu.memory_space<hbm>>
      %dma_start3A_35 = arith.constant 0 : i32
      %dma_start3A_36 = arith.constant 0 : i32
      %dma_start3A_37 = tpu.memref_slice %arg2[%add3A, %dma_start3A_35, %dma_start3A_36] : memref<32x125x80xi32, #tpu.memory_space<hbm>> -> memref<1x125x80xi32, #tpu.memory_space<hbm>>
      %dma_start3A_38 = tpu.memref_squeeze %dma_start3A_37 : memref<1x125x80xi32, #tpu.memory_space<hbm>> -> memref<125x80xi32, #tpu.memory_space<hbm>>
      tpu.enqueue_dma source(%dma_start3A_38 : memref<125x80xi32, #tpu.memory_space<hbm>>) target(%arg4 : memref<125x80xi32, #tpu.memory_space<vmem>>) target_semaphore(%run_scoped3A_31 : memref<!tpu.dma_semaphore, #tpu.memory_space<semaphore_mem>>)
      %dma_wait3A = arith.constant 0 : i32
      %dma_wait3A_39 = arith.constant 0 : i32
      %dma_wait3A_40 = tpu.memref_slice %arg2[%add3A, %dma_wait3A, %dma_wait3A_39] : memref<32x125x80xi32, #tpu.memory_space<hbm>> -> memref<1x125x80xi32, #tpu.memory_space<hbm>>
      %dma_wait3A_41 = tpu.memref_squeeze %dma_wait3A_40 : memref<1x125x80xi32, #tpu.memory_space<hbm>> -> memref<125x80xi32, #tpu.memory_space<hbm>>
      %dma_wait3A_42 = arith.constant 0 : i32
      %dma_wait3A_43 = arith.constant 0 : i32
      %dma_wait3A_44 = tpu.memref_slice %arg2[%add3A, %dma_wait3A_42, %dma_wait3A_43] : memref<32x125x80xi32, #tpu.memory_space<hbm>> -> memref<1x125x80xi32, #tpu.memory_space<hbm>>
      %dma_wait3A_45 = tpu.memref_squeeze %dma_wait3A_44 : memref<1x125x80xi32, #tpu.memory_space<hbm>> -> memref<125x80xi32, #tpu.memory_space<hbm>>
      tpu.wait_dma2 semaphore(%run_scoped3A_31 : memref<!tpu.dma_semaphore, #tpu.memory_space<semaphore_mem>>) src(%dma_wait3A_45 : memref<125x80xi32, #tpu.memory_space<hbm>>) dst(%arg4 : memref<125x80xi32, #tpu.memory_space<vmem>>)
      tpu.yield
    }) : () -> ()
    %scan3A = arith.constant 0 : i32
    %scan3A_1 = arith.constant 0 : i32
    %scan3A_2 = arith.constant 80 : i32
    %scan3A_3 = arith.addi %scan3A_1, %scan3A_2 : i32
    %scan3A_4 = arith.constant 1 : i32
    scf.for %scan3A_31 = %scan3A_1 to %scan3A_3 step %scan3A_4  : i32 {
      %broadcast_in_dim3A = arith.constant 0.000000e+00 : f32
      %broadcast_in_dim3A_32 = vector.broadcast %broadcast_in_dim3A : f32 to vector<16xf32>
      %swap3A = arith.index_cast %scan3A_31 : i32 to index
      %swap3A_33 = arith.constant 0 : index
      %swap3A_34 = tpu.vector_load %arg7[%swap3A, %swap3A_33] {strides = array<i32>} : memref<80x128xf32, #tpu.memory_space<vmem>>, vector<1x16xf32>,
      %swap3A_35 = vector.shape_cast %swap3A_34 : vector<1x16xf32> to vector<16xf32>
      %swap3A_36 = vector.shape_cast %broadcast_in_dim3A_32 : vector<16xf32> to vector<1x16xf32>
      tpu.vector_store %arg7[%swap3A, %swap3A_33], %swap3A_36 {strides = array<i32>} : memref<80x128xf32, #tpu.memory_space<vmem>>, vector<1x16xf32>,
      %broadcast_in_dim3A_37 = arith.constant 0.000000e+00 : f32
      %broadcast_in_dim3A_38 = vector.broadcast %broadcast_in_dim3A_37 : f32 to vector<16xf32>
      %swap3A_39 = arith.index_cast %scan3A_31 : i32 to index
      %swap3A_40 = arith.constant 16 : index
      %swap3A_41 = tpu.vector_load %arg7[%swap3A_39, %swap3A_40] {strides = array<i32>} : memref<80x128xf32, #tpu.memory_space<vmem>>, vector<1x16xf32>,
      %swap3A_42 = vector.shape_cast %swap3A_41 : vector<1x16xf32> to vector<16xf32>
      %swap3A_43 = vector.shape_cast %broadcast_in_dim3A_38 : vector<16xf32> to vector<1x16xf32>
      tpu.vector_store %arg7[%swap3A_39, %swap3A_40], %swap3A_43 {strides = array<i32>} : memref<80x128xf32, #tpu.memory_space<vmem>>, vector<1x16xf32>,
      %broadcast_in_dim3A_44 = arith.constant 0.000000e+00 : f32
      %broadcast_in_dim3A_45 = vector.broadcast %broadcast_in_dim3A_44 : f32 to vector<16xf32>
      %swap3A_46 = arith.index_cast %scan3A_31 : i32 to index
      %swap3A_47 = arith.constant 32 : index
      %swap3A_48 = tpu.vector_load %arg7[%swap3A_46, %swap3A_47] {strides = array<i32>} : memref<80x128xf32, #tpu.memory_space<vmem>>, vector<1x16xf32>,
      %swap3A_49 = vector.shape_cast %swap3A_48 : vector<1x16xf32> to vector<16xf32>
      %swap3A_50 = vector.shape_cast %broadcast_in_dim3A_45 : vector<16xf32> to vector<1x16xf32>
      tpu.vector_store %arg7[%swap3A_46, %swap3A_47], %swap3A_50 {strides = array<i32>} : memref<80x128xf32, #tpu.memory_space<vmem>>, vector<1x16xf32>,
      %broadcast_in_dim3A_51 = arith.constant 0.000000e+00 : f32
      %broadcast_in_dim3A_52 = vector.broadcast %broadcast_in_dim3A_51 : f32 to vector<16xf32>
      %swap3A_53 = arith.index_cast %scan3A_31 : i32 to index
      %swap3A_54 = arith.constant 48 : index
      %swap3A_55 = tpu.vector_load %arg7[%swap3A_53, %swap3A_54] {strides = array<i32>} : memref<80x128xf32, #tpu.memory_space<vmem>>, vector<1x16xf32>,
      %swap3A_56 = vector.shape_cast %swap3A_55 : vector<1x16xf32> to vector<16xf32>
      %swap3A_57 = vector.shape_cast %broadcast_in_dim3A_52 : vector<16xf32> to vector<1x16xf32>
      tpu.vector_store %arg7[%swap3A_53, %swap3A_54], %swap3A_57 {strides = array<i32>} : memref<80x128xf32, #tpu.memory_space<vmem>>, vector<1x16xf32>,
      %broadcast_in_dim3A_58 = arith.constant 0.000000e+00 : f32
      %broadcast_in_dim3A_59 = vector.broadcast %broadcast_in_dim3A_58 : f32 to vector<16xf32>
      %swap3A_60 = arith.index_cast %scan3A_31 : i32 to index
      %swap3A_61 = arith.constant 64 : index
      %swap3A_62 = tpu.vector_load %arg7[%swap3A_60, %swap3A_61] {strides = array<i32>} : memref<80x128xf32, #tpu.memory_space<vmem>>, vector<1x16xf32>,
      %swap3A_63 = vector.shape_cast %swap3A_62 : vector<1x16xf32> to vector<16xf32>
      %swap3A_64 = vector.shape_cast %broadcast_in_dim3A_59 : vector<16xf32> to vector<1x16xf32>
      tpu.vector_store %arg7[%swap3A_60, %swap3A_61], %swap3A_64 {strides = array<i32>} : memref<80x128xf32, #tpu.memory_space<vmem>>, vector<1x16xf32>,
      %broadcast_in_dim3A_65 = arith.constant 0.000000e+00 : f32
      %broadcast_in_dim3A_66 = vector.broadcast %broadcast_in_dim3A_65 : f32 to vector<16xf32>
      %swap3A_67 = arith.index_cast %scan3A_31 : i32 to index
      %swap3A_68 = arith.constant 80 : index
      %swap3A_69 = tpu.vector_load %arg7[%swap3A_67, %swap3A_68] {strides = array<i32>} : memref<80x128xf32, #tpu.memory_space<vmem>>, vector<1x16xf32>,
      %swap3A_70 = vector.shape_cast %swap3A_69 : vector<1x16xf32> to vector<16xf32>
      %swap3A_71 = vector.shape_cast %broadcast_in_dim3A_66 : vector<16xf32> to vector<1x16xf32>
      tpu.vector_store %arg7[%swap3A_67, %swap3A_68], %swap3A_71 {strides = array<i32>} : memref<80x128xf32, #tpu.memory_space<vmem>>, vector<1x16xf32>,
      %broadcast_in_dim3A_72 = arith.constant 0.000000e+00 : f32
      %broadcast_in_dim3A_73 = vector.broadcast %broadcast_in_dim3A_72 : f32 to vector<16xf32>
      %swap3A_74 = arith.index_cast %scan3A_31 : i32 to index
      %swap3A_75 = arith.constant 96 : index
      %swap3A_76 = tpu.vector_load %arg7[%swap3A_74, %swap3A_75] {strides = array<i32>} : memref<80x128xf32, #tpu.memory_space<vmem>>, vector<1x16xf32>,
      %swap3A_77 = vector.shape_cast %swap3A_76 : vector<1x16xf32> to vector<16xf32>
      %swap3A_78 = vector.shape_cast %broadcast_in_dim3A_73 : vector<16xf32> to vector<1x16xf32>
      tpu.vector_store %arg7[%swap3A_74, %swap3A_75], %swap3A_78 {strides = array<i32>} : memref<80x128xf32, #tpu.memory_space<vmem>>, vector<1x16xf32>,
      %broadcast_in_dim3A_79 = arith.constant 0.000000e+00 : f32
      %broadcast_in_dim3A_80 = vector.broadcast %broadcast_in_dim3A_79 : f32 to vector<16xf32>
      %swap3A_81 = arith.index_cast %scan3A_31 : i32 to index
      %swap3A_82 = arith.constant 112 : index
      %swap3A_83 = tpu.vector_load %arg7[%swap3A_81, %swap3A_82] {strides = array<i32>} : memref<80x128xf32, #tpu.memory_space<vmem>>, vector<1x16xf32>,
      %swap3A_84 = vector.shape_cast %swap3A_83 : vector<1x16xf32> to vector<16xf32>
      %swap3A_85 = vector.shape_cast %broadcast_in_dim3A_80 : vector<16xf32> to vector<1x16xf32>
      tpu.vector_store %arg7[%swap3A_81, %swap3A_82], %swap3A_85 {strides = array<i32>} : memref<80x128xf32, #tpu.memory_space<vmem>>, vector<1x16xf32>,
    }
    %scan3A_5 = arith.constant 80 : i32
    %scan3A_6 = arith.constant 0 : i32
    %scan3A_7 = arith.constant 0 : i32
    %scan3A_8 = arith.constant 80 : i32
    %scan3A_9 = arith.addi %scan3A_7, %scan3A_8 : i32
    %scan3A_10 = arith.constant 1 : i32
    scf.for %scan3A_31 = %scan3A_7 to %scan3A_9 step %scan3A_10  : i32 {
      %broadcast_in_dim3A = arith.constant 1.000000e+00 : f32
      %broadcast_in_dim3A_32 = vector.broadcast %broadcast_in_dim3A : f32 to vector<16xf32>
      %swap3A = arith.index_cast %scan3A_31 : i32 to index
      %swap3A_33 = arith.constant 0 : index
      %swap3A_34 = tpu.vector_load %arg6[%swap3A, %swap3A_33] {strides = array<i32>} : memref<80x128xf32, #tpu.memory_space<vmem>>, vector<1x16xf32>,
      %swap3A_35 = vector.shape_cast %swap3A_34 : vector<1x16xf32> to vector<16xf32>
      %swap3A_36 = vector.shape_cast %broadcast_in_dim3A_32 : vector<16xf32> to vector<1x16xf32>
      tpu.vector_store %arg6[%swap3A, %swap3A_33], %swap3A_36 {strides = array<i32>} : memref<80x128xf32, #tpu.memory_space<vmem>>, vector<1x16xf32>,
      %broadcast_in_dim3A_37 = arith.constant 1.000000e+00 : f32
      %broadcast_in_dim3A_38 = vector.broadcast %broadcast_in_dim3A_37 : f32 to vector<16xf32>
      %swap3A_39 = arith.index_cast %scan3A_31 : i32 to index
      %swap3A_40 = arith.constant 16 : index
      %swap3A_41 = tpu.vector_load %arg6[%swap3A_39, %swap3A_40] {strides = array<i32>} : memref<80x128xf32, #tpu.memory_space<vmem>>, vector<1x16xf32>,
      %swap3A_42 = vector.shape_cast %swap3A_41 : vector<1x16xf32> to vector<16xf32>
      %swap3A_43 = vector.shape_cast %broadcast_in_dim3A_38 : vector<16xf32> to vector<1x16xf32>
      tpu.vector_store %arg6[%swap3A_39, %swap3A_40], %swap3A_43 {strides = array<i32>} : memref<80x128xf32, #tpu.memory_space<vmem>>, vector<1x16xf32>,
      %broadcast_in_dim3A_44 = arith.constant 1.000000e+00 : f32
      %broadcast_in_dim3A_45 = vector.broadcast %broadcast_in_dim3A_44 : f32 to vector<16xf32>
      %swap3A_46 = arith.index_cast %scan3A_31 : i32 to index
      %swap3A_47 = arith.constant 32 : index
      %swap3A_48 = tpu.vector_load %arg6[%swap3A_46, %swap3A_47] {strides = array<i32>} : memref<80x128xf32, #tpu.memory_space<vmem>>, vector<1x16xf32>,
      %swap3A_49 = vector.shape_cast %swap3A_48 : vector<1x16xf32> to vector<16xf32>
      %swap3A_50 = vector.shape_cast %broadcast_in_dim3A_45 : vector<16xf32> to vector<1x16xf32>
      tpu.vector_store %arg6[%swap3A_46, %swap3A_47], %swap3A_50 {strides = array<i32>} : memref<80x128xf32, #tpu.memory_space<vmem>>, vector<1x16xf32>,
      %broadcast_in_dim3A_51 = arith.constant 1.000000e+00 : f32
      %broadcast_in_dim3A_52 = vector.broadcast %broadcast_in_dim3A_51 : f32 to vector<16xf32>
      %swap3A_53 = arith.index_cast %scan3A_31 : i32 to index
      %swap3A_54 = arith.constant 48 : index
      %swap3A_55 = tpu.vector_load %arg6[%swap3A_53, %swap3A_54] {strides = array<i32>} : memref<80x128xf32, #tpu.memory_space<vmem>>, vector<1x16xf32>,
      %swap3A_56 = vector.shape_cast %swap3A_55 : vector<1x16xf32> to vector<16xf32>
      %swap3A_57 = vector.shape_cast %broadcast_in_dim3A_52 : vector<16xf32> to vector<1x16xf32>
      tpu.vector_store %arg6[%swap3A_53, %swap3A_54], %swap3A_57 {strides = array<i32>} : memref<80x128xf32, #tpu.memory_space<vmem>>, vector<1x16xf32>,
      %broadcast_in_dim3A_58 = arith.constant 1.000000e+00 : f32
      %broadcast_in_dim3A_59 = vector.broadcast %broadcast_in_dim3A_58 : f32 to vector<16xf32>
      %swap3A_60 = arith.index_cast %scan3A_31 : i32 to index
      %swap3A_61 = arith.constant 64 : index
      %swap3A_62 = tpu.vector_load %arg6[%swap3A_60, %swap3A_61] {strides = array<i32>} : memref<80x128xf32, #tpu.memory_space<vmem>>, vector<1x16xf32>,
      %swap3A_63 = vector.shape_cast %swap3A_62 : vector<1x16xf32> to vector<16xf32>
      %swap3A_64 = vector.shape_cast %broadcast_in_dim3A_59 : vector<16xf32> to vector<1x16xf32>
      tpu.vector_store %arg6[%swap3A_60, %swap3A_61], %swap3A_64 {strides = array<i32>} : memref<80x128xf32, #tpu.memory_space<vmem>>, vector<1x16xf32>,
      %broadcast_in_dim3A_65 = arith.constant 1.000000e+00 : f32
      %broadcast_in_dim3A_66 = vector.broadcast %broadcast_in_dim3A_65 : f32 to vector<16xf32>
      %swap3A_67 = arith.index_cast %scan3A_31 : i32 to index
      %swap3A_68 = arith.constant 80 : index
      %swap3A_69 = tpu.vector_load %arg6[%swap3A_67, %swap3A_68] {strides = array<i32>} : memref<80x128xf32, #tpu.memory_space<vmem>>, vector<1x16xf32>,
      %swap3A_70 = vector.shape_cast %swap3A_69 : vector<1x16xf32> to vector<16xf32>
      %swap3A_71 = vector.shape_cast %broadcast_in_dim3A_66 : vector<16xf32> to vector<1x16xf32>
      tpu.vector_store %arg6[%swap3A_67, %swap3A_68], %swap3A_71 {strides = array<i32>} : memref<80x128xf32, #tpu.memory_space<vmem>>, vector<1x16xf32>,
      %broadcast_in_dim3A_72 = arith.constant 1.000000e+00 : f32
      %broadcast_in_dim3A_73 = vector.broadcast %broadcast_in_dim3A_72 : f32 to vector<16xf32>
      %swap3A_74 = arith.index_cast %scan3A_31 : i32 to index
      %swap3A_75 = arith.constant 96 : index
      %swap3A_76 = tpu.vector_load %arg6[%swap3A_74, %swap3A_75] {strides = array<i32>} : memref<80x128xf32, #tpu.memory_space<vmem>>, vector<1x16xf32>,
      %swap3A_77 = vector.shape_cast %swap3A_76 : vector<1x16xf32> to vector<16xf32>
      %swap3A_78 = vector.shape_cast %broadcast_in_dim3A_73 : vector<16xf32> to vector<1x16xf32>
      tpu.vector_store %arg6[%swap3A_74, %swap3A_75], %swap3A_78 {strides = array<i32>} : memref<80x128xf32, #tpu.memory_space<vmem>>, vector<1x16xf32>,
      %broadcast_in_dim3A_79 = arith.constant 1.000000e+00 : f32
      %broadcast_in_dim3A_80 = vector.broadcast %broadcast_in_dim3A_79 : f32 to vector<16xf32>
      %swap3A_81 = arith.index_cast %scan3A_31 : i32 to index
      %swap3A_82 = arith.constant 112 : index
      %swap3A_83 = tpu.vector_load %arg6[%swap3A_81, %swap3A_82] {strides = array<i32>} : memref<80x128xf32, #tpu.memory_space<vmem>>, vector<1x16xf32>,
      %swap3A_84 = vector.shape_cast %swap3A_83 : vector<1x16xf32> to vector<16xf32>
      %swap3A_85 = vector.shape_cast %broadcast_in_dim3A_80 : vector<16xf32> to vector<1x16xf32>
      tpu.vector_store %arg6[%swap3A_81, %swap3A_82], %swap3A_85 {strides = array<i32>} : memref<80x128xf32, #tpu.memory_space<vmem>>, vector<1x16xf32>,
    }
    %scan3A_11 = arith.constant 80 : i32
    %scan3A_12 = arith.constant 0 : i32
    %scan3A_13 = arith.constant 0 : i32
    %scan3A_14 = arith.constant 8 : i32
    %scan3A_15 = arith.addi %scan3A_13, %scan3A_14 : i32
    %scan3A_16 = arith.constant 1 : i32
    scf.for %scan3A_31 = %scan3A_13 to %scan3A_15 step %scan3A_16  : i32 {
      %mul3A_32 = arith.constant 640 : i32
      %mul3A_33 = arith.muli %arg1, %mul3A_32 : i32
      %mul3A_34 = arith.constant 80 : i32
      %mul3A_35 = arith.muli %scan3A_31, %mul3A_34 : i32
      %add3A_36 = arith.addi %mul3A_33, %mul3A_35 : i32
      %scan3A_37 = arith.constant 0 : i32
      %scan3A_38 = arith.constant 0 : i32
      %scan3A_39 = arith.constant 5 : i32
      %scan3A_40 = arith.addi %scan3A_38, %scan3A_39 : i32
      %scan3A_41 = arith.constant 1 : i32
      scf.for %scan3A_43 = %scan3A_38 to %scan3A_40 step %scan3A_41  : i32 {
        %mul3A_44 = arith.constant 16 : i32
        %mul3A_45 = arith.muli %scan3A_43, %mul3A_44 : i32
        %add3A_46 = arith.addi %add3A_36, %mul3A_45 : i32
        %iota3A = tpu.iota {dimensions = array<i32: 0>} : vector<16xi32>
        %add3A_47 = vector.broadcast %add3A_46 : i32 to vector<16xi32>
        %add3A_48 = arith.addi %add3A_47, %iota3A : vector<16xi32>
        %mul3A_49 = arith.constant 16 : i32
        %mul3A_50 = arith.muli %scan3A_43, %mul3A_49 : i32
        %swap3A = arith.index_cast %mul3A_50 : i32 to index
        %swap3A_51 = tpu.vector_load %arg5[%swap3A] {strides = array<i32>} : memref<80xi32, #tpu.memory_space<vmem>>, vector<16xi32>,
        %swap3A_52 = vector.shape_cast %swap3A_51 : vector<16xi32> to vector<16xi32>
        %swap3A_53 = vector.shape_cast %add3A_48 : vector<16xi32> to vector<16xi32>
        tpu.vector_store %arg5[%swap3A], %swap3A_53 {strides = array<i32>} : memref<80xi32, #tpu.memory_space<vmem>>, vector<16xi32>,
      }
      %scan3A_42 = arith.constant 5 : i32
      "tpu.region"() ({
        %run_scoped3A_43 = tpu.sem_alloc : memref<!tpu.dma_semaphore, #tpu.memory_space<semaphore_mem>>
        %dma_start3A = arith.constant 0 : i32
        %dma_start3A_44 = arith.constant 0 : i32
        %dma_start3A_45 = tpu.memref_slice %arg8[%dma_start3A, %dma_start3A_44] : memref<10240x128xf32, #tpu.memory_space<vmem_shared>> -> memref<10240x128xf32, #tpu.memory_space<vmem_shared>>
        tpu.enqueue_indirect_dma source(%arg7 : memref<80x128xf32, #tpu.memory_space<vmem>>) target(%dma_start3A_45 : memref<10240x128xf32, #tpu.memory_space<vmem_shared>>) offsets(%arg5 : memref<80xi32, #tpu.memory_space<vmem>>) semaphore(%run_scoped3A_43 : memref<!tpu.dma_semaphore, #tpu.memory_space<semaphore_mem>>)
        %dma_wait3A = arith.constant 0 : i32
        %dma_wait3A_46 = arith.constant 0 : i32
        %dma_wait3A_47 = tpu.memref_slice %arg8[%dma_wait3A, %dma_wait3A_46] : memref<10240x128xf32, #tpu.memory_space<vmem_shared>> -> memref<10240x128xf32, #tpu.memory_space<vmem_shared>>
        tpu.wait_indirect_dma semaphore(%run_scoped3A_43 : memref<!tpu.dma_semaphore, #tpu.memory_space<semaphore_mem>>) src(%arg7 : memref<80x128xf32, #tpu.memory_space<vmem>>) dst(%dma_wait3A_47 : memref<10240x128xf32, #tpu.memory_space<vmem_shared>>)
        tpu.yield
      }) : () -> ()
    }
    %scan3A_17 = arith.constant 8 : i32
    %barrier3A = arith.constant 0 : index
    tpu.barrier barrier_id(%barrier3A)
    %scan3A_18 = arith.constant 0 : i32
    %scan3A_19 = arith.constant 0 : i32
    %scan3A_20 = arith.constant 62 : i32
    %scan3A_21 = arith.addi %scan3A_19, %scan3A_20 : i32
    %scan3A_22 = arith.constant 1 : i32
    scf.for %scan3A_31 = %scan3A_19 to %scan3A_21 step %scan3A_22  : i32 {
      %mul3A_32 = arith.constant 2 : i32
      %mul3A_33 = arith.muli %mul3A_32, %scan3A_31 : i32
      %mul3A_34 = arith.constant 2 : i32
      %mul3A_35 = arith.muli %mul3A_34, %scan3A_31 : i32
      %add3A_36 = arith.constant 1 : i32
      %add3A_37 = arith.addi %mul3A_35, %add3A_36 : i32
      %dma_start3A = arith.constant 0 : i32
      %dma_start3A_38 = tpu.memref_slice %arg4[%mul3A_33, %dma_start3A] : memref<125x80xi32, #tpu.memory_space<vmem>> -> memref<1x80xi32, #tpu.memory_space<vmem>>
      %dma_start3A_39 = tpu.memref_squeeze %dma_start3A_38 : memref<1x80xi32, #tpu.memory_space<vmem>> -> memref<80xi32, #tpu.memory_space<vmem>>
      %dma_start3A_40 = arith.constant 0 : i32
      %dma_start3A_41 = arith.constant 0 : i32
      %dma_start3A_42 = tpu.memref_slice %arg8[%dma_start3A_40, %dma_start3A_41] : memref<10240x128xf32, #tpu.memory_space<vmem_shared>> -> memref<10240x128xf32, #tpu.memory_space<vmem_shared>>
      tpu.enqueue_indirect_dma source(%arg6 : memref<80x128xf32, #tpu.memory_space<vmem>>) target(%dma_start3A_42 : memref<10240x128xf32, #tpu.memory_space<vmem_shared>>) offsets(%dma_start3A_39 : memref<80xi32, #tpu.memory_space<vmem>>) semaphore(%arg10 : memref<!tpu.dma_semaphore, #tpu.memory_space<semaphore_mem>>) {add = true}
      %dma_start3A_43 = arith.constant 0 : i32
      %dma_start3A_44 = tpu.memref_slice %arg4[%add3A_37, %dma_start3A_43] : memref<125x80xi32, #tpu.memory_space<vmem>> -> memref<1x80xi32, #tpu.memory_space<vmem>>
      %dma_start3A_45 = tpu.memref_squeeze %dma_start3A_44 : memref<1x80xi32, #tpu.memory_space<vmem>> -> memref<80xi32, #tpu.memory_space<vmem>>
      %dma_start3A_46 = arith.constant 0 : i32
      %dma_start3A_47 = arith.constant 0 : i32
      %dma_start3A_48 = tpu.memref_slice %arg8[%dma_start3A_46, %dma_start3A_47] : memref<10240x128xf32, #tpu.memory_space<vmem_shared>> -> memref<10240x128xf32, #tpu.memory_space<vmem_shared>>
      tpu.enqueue_indirect_dma source(%arg6 : memref<80x128xf32, #tpu.memory_space<vmem>>) target(%dma_start3A_48 : memref<10240x128xf32, #tpu.memory_space<vmem_shared>>) offsets(%dma_start3A_45 : memref<80xi32, #tpu.memory_space<vmem>>) semaphore(%arg11 : memref<!tpu.dma_semaphore, #tpu.memory_space<semaphore_mem>>) {add = true}
      %dma_wait3A = arith.constant 0 : i32
      %dma_wait3A_49 = tpu.memref_slice %arg4[%mul3A_33, %dma_wait3A] : memref<125x80xi32, #tpu.memory_space<vmem>> -> memref<1x80xi32, #tpu.memory_space<vmem>>
      %dma_wait3A_50 = tpu.memref_squeeze %dma_wait3A_49 : memref<1x80xi32, #tpu.memory_space<vmem>> -> memref<80xi32, #tpu.memory_space<vmem>>
      %dma_wait3A_51 = arith.constant 0 : i32
      %dma_wait3A_52 = arith.constant 0 : i32
      %dma_wait3A_53 = tpu.memref_slice %arg8[%dma_wait3A_51, %dma_wait3A_52] : memref<10240x128xf32, #tpu.memory_space<vmem_shared>> -> memref<10240x128xf32, #tpu.memory_space<vmem_shared>>
      tpu.wait_indirect_dma semaphore(%arg10 : memref<!tpu.dma_semaphore, #tpu.memory_space<semaphore_mem>>) src(%arg6 : memref<80x128xf32, #tpu.memory_space<vmem>>) dst(%dma_wait3A_53 : memref<10240x128xf32, #tpu.memory_space<vmem_shared>>)
      %dma_wait3A_54 = arith.constant 0 : i32
      %dma_wait3A_55 = tpu.memref_slice %arg4[%add3A_37, %dma_wait3A_54] : memref<125x80xi32, #tpu.memory_space<vmem>> -> memref<1x80xi32, #tpu.memory_space<vmem>>
      %dma_wait3A_56 = tpu.memref_squeeze %dma_wait3A_55 : memref<1x80xi32, #tpu.memory_space<vmem>> -> memref<80xi32, #tpu.memory_space<vmem>>
      %dma_wait3A_57 = arith.constant 0 : i32
      %dma_wait3A_58 = arith.constant 0 : i32
      %dma_wait3A_59 = tpu.memref_slice %arg8[%dma_wait3A_57, %dma_wait3A_58] : memref<10240x128xf32, #tpu.memory_space<vmem_shared>> -> memref<10240x128xf32, #tpu.memory_space<vmem_shared>>
      tpu.wait_indirect_dma semaphore(%arg11 : memref<!tpu.dma_semaphore, #tpu.memory_space<semaphore_mem>>) src(%arg6 : memref<80x128xf32, #tpu.memory_space<vmem>>) dst(%dma_wait3A_59 : memref<10240x128xf32, #tpu.memory_space<vmem_shared>>)
    }
    %scan3A_23 = arith.constant 62 : i32
    %run_scoped3A = arith.constant 124 : i32
    "tpu.region"() ({
      %run_scoped3A_31 = tpu.sem_alloc : memref<!tpu.dma_semaphore, #tpu.memory_space<semaphore_mem>>
      %dma_start3A = arith.constant 0 : i32
      %dma_start3A_32 = tpu.memref_slice %arg4[%run_scoped3A, %dma_start3A] : memref<125x80xi32, #tpu.memory_space<vmem>> -> memref<1x80xi32, #tpu.memory_space<vmem>>
      %dma_start3A_33 = tpu.memref_squeeze %dma_start3A_32 : memref<1x80xi32, #tpu.memory_space<vmem>> -> memref<80xi32, #tpu.memory_space<vmem>>
      %dma_start3A_34 = arith.constant 0 : i32
      %dma_start3A_35 = arith.constant 0 : i32
      %dma_start3A_36 = tpu.memref_slice %arg8[%dma_start3A_34, %dma_start3A_35] : memref<10240x128xf32, #tpu.memory_space<vmem_shared>> -> memref<10240x128xf32, #tpu.memory_space<vmem_shared>>
      tpu.enqueue_indirect_dma source(%arg6 : memref<80x128xf32, #tpu.memory_space<vmem>>) target(%dma_start3A_36 : memref<10240x128xf32, #tpu.memory_space<vmem_shared>>) offsets(%dma_start3A_33 : memref<80xi32, #tpu.memory_space<vmem>>) semaphore(%run_scoped3A_31 : memref<!tpu.dma_semaphore, #tpu.memory_space<semaphore_mem>>) {add = true}
      %dma_wait3A = arith.constant 0 : i32
      %dma_wait3A_37 = tpu.memref_slice %arg4[%run_scoped3A, %dma_wait3A] : memref<125x80xi32, #tpu.memory_space<vmem>> -> memref<1x80xi32, #tpu.memory_space<vmem>>
      %dma_wait3A_38 = tpu.memref_squeeze %dma_wait3A_37 : memref<1x80xi32, #tpu.memory_space<vmem>> -> memref<80xi32, #tpu.memory_space<vmem>>
      %dma_wait3A_39 = arith.constant 0 : i32
      %dma_wait3A_40 = arith.constant 0 : i32
      %dma_wait3A_41 = tpu.memref_slice %arg8[%dma_wait3A_39, %dma_wait3A_40] : memref<10240x128xf32, #tpu.memory_space<vmem_shared>> -> memref<10240x128xf32, #tpu.memory_space<vmem_shared>>
      tpu.wait_indirect_dma semaphore(%run_scoped3A_31 : memref<!tpu.dma_semaphore, #tpu.memory_space<semaphore_mem>>) src(%arg6 : memref<80x128xf32, #tpu.memory_space<vmem>>) dst(%dma_wait3A_41 : memref<10240x128xf32, #tpu.memory_space<vmem_shared>>)
      tpu.yield
    }) : () -> ()
    %barrier3A_24 = arith.constant 0 : index
    tpu.barrier barrier_id(%barrier3A_24)
    %scan3A_25 = arith.constant 0 : i32
    %scan3A_26 = arith.constant 0 : i32
    %scan3A_27 = arith.constant 8 : i32
    %scan3A_28 = arith.addi %scan3A_26, %scan3A_27 : i32
    %scan3A_29 = arith.constant 1 : i32
    scf.for %scan3A_31 = %scan3A_26 to %scan3A_28 step %scan3A_29  : i32 {
      %mul3A_32 = arith.constant 640 : i32
      %mul3A_33 = arith.muli %arg1, %mul3A_32 : i32
      %mul3A_34 = arith.constant 80 : i32
      %mul3A_35 = arith.muli %scan3A_31, %mul3A_34 : i32
      %add3A_36 = arith.addi %mul3A_33, %mul3A_35 : i32
      %scan3A_37 = arith.constant 0 : i32
      %scan3A_38 = arith.constant 0 : i32
      %scan3A_39 = arith.constant 5 : i32
      %scan3A_40 = arith.addi %scan3A_38, %scan3A_39 : i32
      %scan3A_41 = arith.constant 1 : i32
      scf.for %scan3A_47 = %scan3A_38 to %scan3A_40 step %scan3A_41  : i32 {
        %mul3A_48 = arith.constant 16 : i32
        %mul3A_49 = arith.muli %scan3A_47, %mul3A_48 : i32
        %add3A_50 = arith.addi %add3A_36, %mul3A_49 : i32
        %iota3A = tpu.iota {dimensions = array<i32: 0>} : vector<16xi32>
        %add3A_51 = vector.broadcast %add3A_50 : i32 to vector<16xi32>
        %add3A_52 = arith.addi %add3A_51, %iota3A : vector<16xi32>
        %mul3A_53 = arith.constant 16 : i32
        %mul3A_54 = arith.muli %scan3A_47, %mul3A_53 : i32
        %swap3A = arith.index_cast %mul3A_54 : i32 to index
        %swap3A_55 = tpu.vector_load %arg5[%swap3A] {strides = array<i32>} : memref<80xi32, #tpu.memory_space<vmem>>, vector<16xi32>,
        %swap3A_56 = vector.shape_cast %swap3A_55 : vector<16xi32> to vector<16xi32>
        %swap3A_57 = vector.shape_cast %add3A_52 : vector<16xi32> to vector<16xi32>
        tpu.vector_store %arg5[%swap3A], %swap3A_57 {strides = array<i32>} : memref<80xi32, #tpu.memory_space<vmem>>, vector<16xi32>,
      }
      %scan3A_42 = arith.constant 5 : i32
      %dma_start3A = arith.constant 0 : i32
      %dma_start3A_43 = arith.constant 0 : i32
      %dma_start3A_44 = tpu.memref_slice %arg8[%dma_start3A, %dma_start3A_43] : memref<10240x128xf32, #tpu.memory_space<vmem_shared>> -> memref<10240x128xf32, #tpu.memory_space<vmem_shared>>
      tpu.enqueue_indirect_dma source(%dma_start3A_44 : memref<10240x128xf32, #tpu.memory_space<vmem_shared>>) target(%arg7 : memref<80x128xf32, #tpu.memory_space<vmem>>) offsets(%arg5 : memref<80xi32, #tpu.memory_space<vmem>>) semaphore(%arg9 : memref<!tpu.dma_semaphore, #tpu.memory_space<semaphore_mem>>)
      %dma_wait3A = arith.constant 0 : i32
      %dma_wait3A_45 = arith.constant 0 : i32
      %dma_wait3A_46 = tpu.memref_slice %arg8[%dma_wait3A, %dma_wait3A_45] : memref<10240x128xf32, #tpu.memory_space<vmem_shared>> -> memref<10240x128xf32, #tpu.memory_space<vmem_shared>>
      tpu.wait_indirect_dma semaphore(%arg9 : memref<!tpu.dma_semaphore, #tpu.memory_space<semaphore_mem>>) src(%dma_wait3A_46 : memref<10240x128xf32, #tpu.memory_space<vmem_shared>>) dst(%arg7 : memref<80x128xf32, #tpu.memory_space<vmem>>)
      "tpu.region"() ({
        %run_scoped3A_47 = tpu.sem_alloc : memref<!tpu.dma_semaphore, #tpu.memory_space<semaphore_mem>>
        %dma_start3A_48 = arith.constant 0 : i32
        %dma_start3A_49 = tpu.memref_slice %arg3[%arg0, %add3A_36, %dma_start3A_48] : memref<2x10240x128xf32, #tpu.memory_space<hbm>> -> memref<1x80x128xf32, #tpu.memory_space<hbm>>
        %dma_start3A_50 = tpu.memref_squeeze %dma_start3A_49 : memref<1x80x128xf32, #tpu.memory_space<hbm>> -> memref<80x128xf32, #tpu.memory_space<hbm>>
        %dma_start3A_51 = arith.constant 0 : i32
        %dma_start3A_52 = tpu.memref_slice %arg3[%arg0, %add3A_36, %dma_start3A_51] : memref<2x10240x128xf32, #tpu.memory_space<hbm>> -> memref<1x80x128xf32, #tpu.memory_space<hbm>>
        %dma_start3A_53 = tpu.memref_squeeze %dma_start3A_52 : memref<1x80x128xf32, #tpu.memory_space<hbm>> -> memref<80x128xf32, #tpu.memory_space<hbm>>
        tpu.enqueue_dma source(%arg7 : memref<80x128xf32, #tpu.memory_space<vmem>>) target(%dma_start3A_53 : memref<80x128xf32, #tpu.memory_space<hbm>>) target_semaphore(%run_scoped3A_47 : memref<!tpu.dma_semaphore, #tpu.memory_space<semaphore_mem>>)
        %dma_wait3A_54 = arith.constant 0 : i32
        %dma_wait3A_55 = tpu.memref_slice %arg3[%arg0, %add3A_36, %dma_wait3A_54] : memref<2x10240x128xf32, #tpu.memory_space<hbm>> -> memref<1x80x128xf32, #tpu.memory_space<hbm>>
        %dma_wait3A_56 = tpu.memref_squeeze %dma_wait3A_55 : memref<1x80x128xf32, #tpu.memory_space<hbm>> -> memref<80x128xf32, #tpu.memory_space<hbm>>
        %dma_wait3A_57 = arith.constant 0 : i32
        %dma_wait3A_58 = tpu.memref_slice %arg3[%arg0, %add3A_36, %dma_wait3A_57] : memref<2x10240x128xf32, #tpu.memory_space<hbm>> -> memref<1x80x128xf32, #tpu.memory_space<hbm>>
        %dma_wait3A_59 = tpu.memref_squeeze %dma_wait3A_58 : memref<1x80x128xf32, #tpu.memory_space<hbm>> -> memref<80x128xf32, #tpu.memory_space<hbm>>
        tpu.wait_dma2 semaphore(%run_scoped3A_47 : memref<!tpu.dma_semaphore, #tpu.memory_space<semaphore_mem>>) src(%arg7 : memref<80x128xf32, #tpu.memory_space<vmem>>) dst(%dma_wait3A_59 : memref<80x128xf32, #tpu.memory_space<hbm>>)
        tpu.yield
      }) : () -> ()
    }
    %scan3A_30 = arith.constant 8 : i32
    return
  }
}

</mosaic_0001>

<sc_bundles>
// kernel: _sc_degrees.3.cloned.1.call-start
scs
__scs_entry_jumppad:
0x0: {  	(pc) =	sbr.rel $0x88, $3  }
0x1: {  	(tag) =	ssettag $0x0;
	lr =	simm.s32 $0x1  }
0x2: {  	[smem:$0x3FA0] =	sst lr;
	_ =	strace $0xD0000000  }
0x3: {  	_ = 	snop  }
0x4: {  	_ = 	snop  }
0x5: {  	_ = 	snop  }
0x6: {  	_ = 	snop  }
0x7: {  	_ = 	snop  }
__scs_overlays_trampoline_lowered:
0x8: {  	[smem:$0x3FAF] =	sst s0  }
0x9: {  	[smem:$0x3FB0] =	sst s1  }
0xa: {  	[smem:$0x3FB1] =	sst s2  }
0xb: {  	[smem:$0x3FB2] =	sst s3  }
0xc: {  	[smem:$0x3FB3] =	sst s4  }
0xd: {  	[smem:$0x3FB4] =	sst s5  }
0xe: {  	[smem:$0x3FB5] =	sst s6  }
0xf: {  	[smem:$0x3FB6] =	sst s7  }
0x10: {  	[smem:$0x3FB7] =	sst s8  }
0x11: {  	[smem:$0x3FB8] =	sst s9;
	s0 =	simm.s32 @!p0 $0x0  }
0x12: {  	s1 =	sld [smem:$0x3F9E];
	s0 =	simm.s32 @p0 $0x1  }
0x13: {  	[smem:$0x3FB9] =	sst s0;
	s0 =	simm.s32 @!p1 $0x0  }
0x14: {  	s2 =	sld [smem:$0x3F9D];
	s0 =	simm.s32 @p1 $0x1  }
0x15: {  	[smem:$0x3FBA] =	sst s0;
	s0 =	simm.s32 @!p2 $0x0  }
0x16: {  	s3 =	sld [smem:$0x3FDB];
	s0 =	simm.s32 @p2 $0x1  }
0x17: {  	s4 =	simm.s32 $0x1BF5;
	[smem:$0x3FBC] =	sst s0  }
0x18: {  	s0 =	sld [smem:$0x3F9F];
	_ =	swait.ge [sflag:s4], $0x0  }
0x19: {  	s7 =	sld [smem:$0x3FA0]  }
0x1a: {  	s8 =	sadd.s32 $0xFFFFE003, lr  }
0x1b: {  	s9 =	sadd.s32 $0xFFFFFEF7, lr;
	s5 =	simm.s32 $0xFFFFFFFF;
	p2 =	slt.u32 s8, $0xFFFFF086  }
0x1c: {  	p1 =	slt.u32 s9, $0xF7A;
	s5 =	simm.s32 @!p2 $0x0  }
0x1d: {  	s5 =	simm.s32 @p1 $0x1;
	p0 =	seq.s32 s7, s2  }
0x1e: {  	s7 =	smul.u32 @!p0 $0xF7A, s2;
	p2 =	seq.s32 @!p0 s5, $0x0  }
0x1f: {  	s9 =	smul.u32 $0xF7A, s1;
	s8 =	simm.s32 @!p0 $0x1BF5;
	p2 =	por !p2, p0  }
0x20: {  	[sflag:s8] =	ssyncset.s32 @!p0 $0xFFFFF086;
	s6 =	sadd.s32 @!p0 s3, s7;
	s7 =	simm.s32 @!p0 $0x108  }
0x21: {  	s3 =	sadd.s32 s3, s9;
	s6 =	sadd.s32 @!p0 $0x88, s6;
	s7 =	simm.s32 @p2 $0x1082  }
0x22: {  	[simem:s7], [sflag:s8] =	dma.local @!p0 [hbm:s6], $0xF7A  }
0x23: {  	s9 =	sor.u32 $0xD0000000, s2;
	s6 =	simm.s32 $0x108;
	_ =	swait.ge @!p0 [sflag:s8], $0x0  }
0x24: {  	s3 =	sadd.s32 $0x88, s3;
	s6 =	simm.s32 @!p1 $0x1082;
	[sflag:s4] =	ssyncset.s32 $0xFFFFF086  }
0x25: {  	[simem:s6], [sflag:s4] =	dma.local [hbm:s3], $0xF7A  }
0x26: {  	[smem:$0x3FA0] =	sst s1;
	(tag) =	ssettag s2;
	_ =	strace s9  }
0x27: {  	s1 =	sld [smem:$0x3FB0]  }
0x28: {  	s2 =	sld [smem:$0x3FB1]  }
0x29: {  	s4 =	sld [smem:$0x3FB3]  }
0x2a: {  	p0 =	seq.s32 s5, $0x0;
	s5 =	sld [smem:$0x3FB4]  }
0x2b: {  	s6 =	sld [smem:$0x3FB5]  }
0x2c: {  	s7 =	sld [smem:$0x3FB6]  }
0x2d: {  	s3 =	simm.s32 $0x108;
	s8 =	sld [smem:$0x3FB7]  }
0x2e: {  	s3 =	simm.s32 @!p0 $0x1082;
	s9 =	sld [smem:$0x3FB8]  }
0x2f: {  	lr =	sadd.s32 s0, s3;
	s0 =	sld [smem:$0x3FAF]  }
0x30: {  	s3 =	sld [smem:$0x3FB2]  }
0x31: {  	[smem:$0x3FBB] =	sst s10  }
0x32: {  	s10 =	sld [smem:$0x3FB9];
	_ =	sdelay $0x3  }
0x33: {  	p0 =	seq.s32 s10, $0x1;
	s10 =	sld [smem:$0x3FBB];
	_ =	sdelay $0x3  }
0x34: {  	[smem:$0x3FBB] =	sst s10  }
0x35: {  	s10 =	sld [smem:$0x3FBA];
	_ =	sdelay $0x3  }
0x36: {  	p1 =	seq.s32 s10, $0x1;
	s10 =	sld [smem:$0x3FBB];
	_ =	sdelay $0x3  }
0x37: {  	[smem:$0x3FBB] =	sst s10  }
0x38: {  	s10 =	sld [smem:$0x3FBC]  }
0x39: {  	_ = 	snop;
	(pc) =	sbr.ind lr, $3  }
0x3a: {  	_ = 	snop  }
0x3b: {  	_ = 	snop  }
0x3c: {  	p2 =	seq.s32 s10, $0x1;
	s10 =	sld [smem:$0x3FBB]  }
0x3d: {  	_ =	shalt  }
0x3e: {  	_ =	shalt  }
0x3f: {  	_ =	shalt  }
0x40: {  	_ =	shalt  }
0x41: {  	_ =	shalt  }
0x42: {  	_ =	shalt  }
0x43: {  	_ =	shalt  }
0x44: {  	_ =	shalt  }
0x45: {  	_ =	shalt  }
0x46: {  	_ =	shalt  }
0x47: {  	_ =	shalt  }
0x48: {  	_ =	shalt  }
0x49: {  	_ =	shalt  }
0x4a: {  	_ =	shalt  }
0x4b: {  	_ =	shalt  }
0x4c: {  	_ =	shalt  }
0x4d: {  	_ =	shalt  }
0x4e: {  	_ =	shalt  }
0x4f: {  	_ =	shalt  }
0x50: {  	_ =	shalt  }
0x51: {  	_ =	shalt  }
0x52: {  	_ =	shalt  }
0x53: {  	_ =	shalt  }
0x54: {  	_ =	shalt  }
0x55: {  	_ =	shalt  }
0x56: {  	_ =	shalt  }
0x57: {  	_ =	shalt  }
0x58: {  	_ =	shalt  }
0x59: {  	_ =	shalt  }
0x5a: {  	_ =	shalt  }
0x5b: {  	_ =	shalt  }
0x5c: {  	_ =	shalt  }
0x5d: {  	_ =	shalt  }
0x5e: {  	_ =	shalt  }
0x5f: {  	_ =	shalt  }
0x60: {  	_ =	shalt  }
0x61: {  	_ =	shalt  }
0x62: {  	_ =	shalt  }
0x63: {  	_ =	shalt  }
0x64: {  	_ =	shalt  }
0x65: {  	_ =	shalt  }
0x66: {  	_ =	shalt  }
0x67: {  	_ =	shalt  }
0x68: {  	_ =	shalt  }
0x69: {  	_ =	shalt  }
0x6a: {  	_ =	shalt  }
0x6b: {  	_ =	shalt  }
0x6c: {  	_ =	shalt  }
0x6d: {  	_ =	shalt  }
0x6e: {  	_ =	shalt  }
0x6f: {  	_ =	shalt  }
0x70: {  	_ =	shalt  }
0x71: {  	_ =	shalt  }
0x72: {  	_ =	shalt  }
0x73: {  	_ =	shalt  }
0x74: {  	_ =	shalt  }
0x75: {  	_ =	shalt  }
0x76: {  	_ =	shalt  }
0x77: {  	_ =	shalt  }
0x78: {  	_ =	shalt  }
0x79: {  	_ =	shalt  }
0x7a: {  	_ =	shalt  }
0x7b: {  	_ =	shalt  }
0x7c: {  	_ =	shalt  }
0x7d: {  	_ =	shalt  }
0x7e: {  	_ =	shalt  }
0x7f: {  	_ =	shalt  }
0x80: {  	_ =	shalt  }
0x81: {  	_ =	shalt  }
0x82: {  	_ =	shalt  }
0x83: {  	_ =	shalt  }
0x84: {  	_ =	shalt  }
0x85: {  	_ =	shalt  }
0x86: {  	_ =	shalt  }
0x87: {  	_ =	shalt  }
.Lfunc_end0:
.L_simem_size_0:
called_computation_lowered:
.L_overlay_start_0:
0x88: {  	s2 =	sld [smem:$0x3FD9]  }
0x89: {  	s3 =	sld [smem:$0x3FFE];
	_ =	sdelay $0x1  }
0x8a: {  	s1 =	srdreg.scid  }
0x8b: {  	s0 =	sand.u32 $0x1, s1  }
0x8c: {  	s17 =	sshll.u32 s0, $0xA;
	s2 =	sadd.s32 s3, s2  }
0x8d: {  	s2 =	sadd.s32 s2, s17  }
0x8e: {  	[smem:$0x3FC7] =	sst s2  }
0x8f: {  	_ = 	snop  }
0x90: {  	s2 =	sld [smem:$0x3FD0];
	(tm) =	ssettm $0x1  }
0x91: {  	s18 =	sld [smem:$0x3FFB];
	_ =	sdelay $0x3  }
0x92: {  	_ =	strace s18  }
0x93: {  	s3 =	sld [smem:$0x3FFC];
	_ =	sdelay $0x3  }
0x94: {  	_ =	strace s3  }
0x95: {  	s3 =	sld [smem:$0x3FFD];
	_ =	sdelay $0x3  }
0x96: {  	_ =	strace s3  }
0x97: {  	_ =	strace $0x8FFFFFFF  }
0x98: {  	s19 =	sld [smem:$0x3FDB];
	_ =	sdelay $0x1  }
0x99: {  	s4 =	simm.s32 $_scs_section_size  }
0x9a: {  	s5 =	simm.s32 $_size__tile_overlayer_lowered;
	s6 =	simm.s32 $_tile_overlayer_lowered  }
0x9b: {  	s22 =	simm.s32 $0x1BFF;
	s21 =	sshll.u32 s6, $0x1;
	s3 =	sadd.s32 s4, s19  }
0x9c: {  	s7 =	simm.s32 $0x0;
	s20 =	sshll.u32 s5, $0x1;
	s5 =	sadd.s32 s21, s3  }
0x9d: {  	[timem:s7], [sflag:s22] =	dma.local [hbm:s5], s20  }
0x9e: {  	_ =	swait.ge [sflag:s22], s20  }
0x9f: {  	s4 =	ssub.s32 $0x0, s20;
	[sflag:s22] =	ssyncset.done $0x0  }
0xa0: {  	[sflag:s22] =	ssyncadd.s32 s4;
	_ =	sdelay $0x1  }
0xa1: {  	s23 =	simm.s32 $0x1B8B  }
0xa2: {  	_ =	swait.ge [sflag:s23], $0x1  }
0xa3: {  	[sflag:s23] =	ssyncset.done $0x0  }
0xa4: {  	s25 =	simm.s32 $0x1B8E;
	s24 =	sld [smem:$0x3FFE];
	[sflag:s23] =	ssyncadd.s32 $0xFFFFFFFF  }
0xa5: {  	s26 =	simm.s32 $execute0_lowered;
	[smem:$0x3FD2] =	sst s25  }
0xa6: {  	s5 =	sshll.u32 s26, $0x1;
	_ =	strace $0x80000046;
	[dreg:$0x1] =	wrdreg $0xFFFFFFFF  }
0xa7: {  	s28 =	simm.s32 $_size_execute0_lowered;
	s3 =	sadd.s32 s3, s5;
	[dreg:$0x0] =	wrdreg $0x0  }
0xa8: {  	s5 =	sshll.u32 s28, $0x1;
	[dreg:$0x2] =	wrdreg s3  }
0xa9: {  	[dreg:$0x3] =	wrdreg s5  }
0xaa: {  	[dreg:$0x4] =	wrdreg $0xC0  }
0xab: {  	_ =	task [dreg:s7], $0x5FFFF  }
0xac: {  	[dreg:$0x1] =	wrdreg $0xFFFFFFFF  }
0xad: {  	[dreg:$0x0] =	wrdreg $0x60  }
0xae: {  	[dreg:$0x2] =	wrdreg s24  }
0xaf: {  	[dreg:$0x3] =	wrdreg s2  }
0xb0: {  	[dreg:$0x4] =	wrdreg $0x90800  }
0xb1: {  	[dreg:$0x5] =	wrdreg $0x9  }
0xb2: {  	_ =	task.clear_ibuf [dreg:s7], $0x6FFFF;
	_ =	strace $0x90000046  }
0xb3: {  	s29 =	simm.s32 $0x9;
	_ =	strace $0x80000048  }
0xb4: {  	_ =	swait.ge [sflag:s29], $0x1  }
0xb5: {  	[sflag:s29] =	ssyncadd.s32 $0xFFFFFFFF  }
0xb6: {  	_ =	strace $0x90000048  }
0xb7: {  	_ =	sfence  }
0xb8: {  	s30 =	sld [smem:$0x0];
	_ =	sdelay $0x2  }
0xb9: {  	s31 =	sshll.u32 s1, $0xD;
	s1 =	sshrl.u32 s1, $0x2  }
0xba: {  	s3 =	sand.u32 $0x4000, s31;
	s1 =	sadd.s32 s1, s30  }
0xbb: {  	s0 =	sor.u32 s3, s0;
	s1 =	sshll.u32 s1, $0x11  }
0xbc: {  	s0 =	sor.u32 s1, s0  }
0xbd: {  	s0 =	sadd.s32 $0x8F2B, s0  }
0xbe: {  	[sflag:s0] =	ssyncadd.remote.s32 $0x1  }
0xbf: {  	_ =	sfence.sel $0xFFFF  }
0xc0: {  	[dreg:$0x0] =	wrdreg $0xFFFFFFFF;
	(pc) =	sbr.abs _section_cstart, $3  }
0xc1: {  	[dreg:$0x1] =	wrdreg $0xFFFFFFFF  }
0xc2: {  	_ =	task.clear_ibuf [dreg:s7], $0x2FFFF;
	_ =	strace $0x9FFFFFFF  }
0xc3: {  	(tm) =	ssettm $0x7FFFFFFF  }
tec
execute0_lowered:
.L_overlay_start_1:
0x0: {  	(tag) =	ssettag $0x1  }
0x1: {  	s4 =	rddreg [dreg:$0x0]  }
0x2: {  	s7 =	rddreg [dreg:$0x1]  }
0x3: {  	s1 =	rddreg [dreg:$0x2]  }
0x4: {  	s0 =	rddreg [dreg:$0x3];
	s2 =	simm.s32 $0x0  }
0x5: {  	s3 =	srdreg.scid;
	s11 =	simm.s32 $0x6880;
	s12 =	simm.s32 $0x4080  }
0x6: {  	s13 =	simm.s32 $0x2;
	s14 =	simm.s32 $0x3;
	s15 =	simm.s32 $0x3E00  }
0x7: {  	s16 =	simm.s32 $0x1;
	[smem:$0x7FF] =	sst s2;
	s5 =	sand.u32 $0x1, s3  }
0x8: {  	s17 =	simm.s32 $0x0;
	s3 =	stileid.u32;
	s6 =	smul.u32 $0x140000, s5  }
0x9: {  	s8 =	sshll.u32 s5, $0xB;
	s5 =	ssub.s32 $0x2, s5;
	s9 =	smul.u32 $0x14000, s3  }
0xa: {  	s10 =	sshll.u32 s3, $0xC;
	s4 =	sadd.s32 s8, s4;
	s31 =	sshrl.u32 s5, $0x1  }
0xb: {  	_ =	strace $0x80000047;
	s8 =	ssub.s32 s5, s31;
	s4 =	sadd.s32 s10, s4  }
0xc: {  	s6 =	sadd.s32 s9, s6;
	s5 =	smul.u32 $0x280, s3;
	s10 =	simm.s32 $0x4000  }
0xd: {  	s4 =	sadd.s32 $0x400, s4;
	s9 =	sshrl.u32 s6, $0x3;
	s6 =	smax.u32 s8, $0x1  }
0xe: {  	v0 =	vimm.f32 $0.0e+00;
	v1 =	vimm.f32 $1.000000000e+00;
	v2 =	vlaneseq.u32;
	s8 =	simm.s32 $0x4;
	s7 =	sadd.s32 s9, s7;
	s9 =	simm.s32 $0x50  }
.LBB2_1:
0xf: {  	[tilespmem:s2], [sflag:$0x4] =	stream.linear.gather [hbm4b:s4+s2], $0x3E80, $0x38;
	[tilespmem:$0x1D080] =	vst v63  }
0x10: {  	_ =	swait.ge [sflag:s8], $0x3E80  }
0x11: {  	[sflag:s8] =	ssyncset.done $0x0  }
0x12: {  	s18 =	simm.s32 $0x0;
	s19 =	simm.s32 $0x200;
	[sflag:s8] =	ssyncadd.s32 $0xFFFFC180  }
.LBB2_2:
0x13: {  	p0 =	sne.s32 s19, $0x9E00;
	[tilespmem:s18+$0x68F0] =	vst v0  }
0x14: {  	[tilespmem:s18+$0x6880] =	vst v0  }
0x15: {  	[tilespmem:s18+$0x6890] =	vst v0  }
.Ltmp0:
0x16: {  	[tilespmem:s18+$0x68A0] =	vst v0;
	(pc) =	sbr.rel @p0 .LBB2_2-.Ltmp0, $4  }
0x17: {  	[tilespmem:s18+$0x68B0] =	vst v0  }
0x18: {  	[tilespmem:s18+$0x68C0] =	vst v0  }
0x19: {  	[tilespmem:s18+$0x68D0] =	vst v0  }
0x1a: {  	[tilespmem:s18+$0x68E0] =	vst v0;
	s18 =	sshra.s32 s19, $0x2;
	s19 =	sadd.s32 $0x200, s19  }
0x1b: {  	[tilespmem:s18+$0x68F0] =	vst v0  }
0x1c: {  	[tilespmem:s18+$0x6880] =	vst v0  }
0x1d: {  	[tilespmem:s18+$0x6890] =	vst v0  }
0x1e: {  	[tilespmem:s18+$0x68A0] =	vst v0  }
0x1f: {  	[tilespmem:s18+$0x68B0] =	vst v0  }
0x20: {  	[tilespmem:s18+$0x68C0] =	vst v0  }
0x21: {  	[tilespmem:s18+$0x68D0] =	vst v0  }
0x22: {  	[tilespmem:s18+$0x68E0] =	vst v0;
	s18 =	simm.s32 $0x0;
	s19 =	simm.s32 $0x200  }
.LBB2_4:
0x23: {  	p0 =	sne.s32 s19, $0x9E00;
	[tilespmem:s18+$0x40F0] =	vst v1  }
0x24: {  	[tilespmem:s18+$0x4080] =	vst v1  }
0x25: {  	[tilespmem:s18+$0x4090] =	vst v1  }
.Ltmp1:
0x26: {  	[tilespmem:s18+$0x40A0] =	vst v1;
	(pc) =	sbr.rel @p0 .LBB2_4-.Ltmp1, $4  }
0x27: {  	[tilespmem:s18+$0x40B0] =	vst v1  }
0x28: {  	[tilespmem:s18+$0x40C0] =	vst v1  }
0x29: {  	[tilespmem:s18+$0x40D0] =	vst v1  }
0x2a: {  	[tilespmem:s18+$0x40E0] =	vst v1;
	s18 =	sshra.s32 s19, $0x2;
	s19 =	sadd.s32 $0x200, s19  }
0x2b: {  	[tilespmem:s18+$0x40F0] =	vst v1  }
0x2c: {  	[tilespmem:s18+$0x4080] =	vst v1  }
0x2d: {  	[tilespmem:s18+$0x4090] =	vst v1  }
0x2e: {  	[tilespmem:s18+$0x40A0] =	vst v1  }
0x2f: {  	[tilespmem:s18+$0x40B0] =	vst v1  }
0x30: {  	[tilespmem:s18+$0x40C0] =	vst v1  }
0x31: {  	[tilespmem:s18+$0x40D0] =	vst v1;
	s19 =	sadd.s32 $0x0, s5  }
0x32: {  	[tilespmem:s18+$0x40E0] =	vst v1;
	v3 =	vor.u32 s19, v2;
	s30 =	sadd.s32 $0x40, s19  }
0x33: {  	s20 =	sadd.s32 $0x30, s19;
	[tilespmem:$0x4000] =	vst v3;
	v3 =	vor.u32 s30, v2  }
0x34: {  	s31 =	sadd.s32 $0x20, s19;
	v4 =	vor.u32 s20, v2;
	[tilespmem:$0x4040] =	vst v3  }
0x35: {  	s18 =	simm.s32 $0x50;
	s19 =	sadd.s32 $0x10, s19;
	v3 =	vor.u32 s31, v2;
	[tilespmem:$0x4030] =	vst v4  }
.LBB2_6:
0x36: {  	p0 =	sne.s32 s18, $0x230;
	v4 =	vor.u32 s19, v2;
	[tilespmem:$0x4020] =	vst v3  }
0x37: {  	[tilespmem:$0x4010] =	vst v4;
	[spmem:s1] =	stream.indirect.scatter [tilespmem:s11], [sflag:$0x4], $0x80, s10, s9, $0xb8  }
0x38: {  	_ =	swait.ge [sflag:s8], $0x2800  }
.Ltmp2:
0x39: {  	s19 =	sadd.s32 s18, s5;
	[sflag:s8] =	ssyncset.done $0x0;
	(pc) =	sbr.rel @p0 .LBB2_6-.Ltmp2, $4  }
0x3a: {  	v3 =	vor.u32 s19, v2;
	s20 =	sadd.s32 $0x40, s19;
	[sflag:s8] =	ssyncadd.s32 $0xFFFFD800  }
0x3b: {  	s21 =	sadd.s32 $0x30, s19;
	[tilespmem:$0x4000] =	vst v3;
	v3 =	vor.u32 s20, v2  }
0x3c: {  	v4 =	vor.u32 s21, v2;
	s20 =	sadd.s32 $0x20, s19;
	[tilespmem:$0x4040] =	vst v3  }
0x3d: {  	s18 =	sadd.s32 $0x50, s18;
	s19 =	sadd.s32 $0x10, s19;
	v3 =	vor.u32 s20, v2;
	[tilespmem:$0x4030] =	vst v4  }
0x3e: {  	v4 =	vor.u32 s19, v2;
	[tilespmem:$0x4020] =	vst v3  }
0x3f: {  	[tilespmem:$0x4010] =	vst v4  }
0x40: {  	[spmem:s1] =	stream.indirect.scatter [tilespmem:s11], [sflag:$0x4], $0x80, s10, s9, $0xb8;
	[tilespmem:$0x1D080] =	vst v63  }
0x41: {  	_ =	swait.ge [sflag:s8], $0x2800  }
0x42: {  	[sflag:s8] =	ssyncset.done $0x0  }
0x43: {  	[sflag:s8] =	ssyncadd.s32 $0xFFFFD800  }
0x44: {  	s18 =	simm.s32 $0x0;
	[bflag:$0x0] =	sbarrier.arrive $0xFFFF  }
0x45: {  	[spmem:s1] =	stream.indirect.scatter.add.f32 [tilespmem:s12], [sflag:$0x2], $0x80, s18, s9, $0xb8;
	[tilespmem:$0x1D080] =	vst v63  }
0x46: {  	s31 =	simm.s32 $0x80  }
0x47: {  	[spmem:s1] =	stream.indirect.scatter.add.f32 [tilespmem:s12], [sflag:$0x3], $0x80, s31, s9, $0xb8;
	[tilespmem:$0x1D080] =	vst v63  }
0x48: {  	_ =	swait.ge [sflag:s13], $0x2800  }
0x49: {  	[sflag:s13] =	ssyncset.done $0x0  }
0x4a: {  	[sflag:s13] =	ssyncadd.s32 $0xFFFFD800  }
0x4b: {  	_ =	swait.ge [sflag:s14], $0x2800  }
0x4c: {  	s19 =	simm.s32 $0x800;
	s18 =	simm.s32 $0x400;
	[sflag:s14] =	ssyncset.done $0x0  }
.LBB2_8:
0x4d: {  	s20 =	sshra.s32 s18, $0x2  }
0x4e: {  	[sflag:s14] =	ssyncadd.s32 $0xFFFFD800;
	s18 =	smov.u32 s19;
	s21 =	sadd.s32 $0x400, s19  }
0x4f: {  	[spmem:s1] =	stream.indirect.scatter.add.f32 [tilespmem:s12], [sflag:$0x2], $0x80, s20, s9, $0xb8;
	[tilespmem:$0x1D080] =	vst v63  }
0x50: {  	p0 =	sne.s32 s19, $0xF400;
	s19 =	sadd.s32 $0x80, s20  }
0x51: {  	[spmem:s1] =	stream.indirect.scatter.add.f32 [tilespmem:s12], [sflag:$0x3], $0x80, s19, s9, $0xb8;
	[tilespmem:$0x1D080] =	vst v63  }
.Ltmp3:
0x52: {  	_ =	swait.ge [sflag:s13], $0x2800;
	(pc) =	sbr.rel @p0 .LBB2_8-.Ltmp3, $4  }
0x53: {  	[sflag:s13] =	ssyncset.done $0x0  }
0x54: {  	[sflag:s13] =	ssyncadd.s32 $0xFFFFD800  }
0x55: {  	_ =	swait.ge [sflag:s14], $0x2800  }
0x56: {  	s19 =	smov.u32 s21;
	[sflag:s14] =	ssyncset.done $0x0  }
0x57: {  	s18 =	sshra.s32 s18, $0x2;
	[sflag:s14] =	ssyncadd.s32 $0xFFFFD800  }
0x58: {  	[spmem:s1] =	stream.indirect.scatter.add.f32 [tilespmem:s12], [sflag:$0x2], $0x80, s18, s9, $0xb8;
	[tilespmem:$0x1D080] =	vst v63  }
0x59: {  	s18 =	sadd.s32 $0x80, s18  }
0x5a: {  	[spmem:s1] =	stream.indirect.scatter.add.f32 [tilespmem:s12], [sflag:$0x3], $0x80, s18, s9, $0xb8;
	[tilespmem:$0x1D080] =	vst v63  }
0x5b: {  	_ =	swait.ge [sflag:s13], $0x2800  }
0x5c: {  	[sflag:s13] =	ssyncset.done $0x0  }
0x5d: {  	[sflag:s13] =	ssyncadd.s32 $0xFFFFD800  }
0x5e: {  	_ =	swait.ge [sflag:s14], $0x2800  }
0x5f: {  	[sflag:s14] =	ssyncset.done $0x0  }
0x60: {  	[sflag:s14] =	ssyncadd.s32 $0xFFFFD800  }
0x61: {  	[spmem:s1] =	stream.indirect.scatter.add.f32 [tilespmem:s12], [sflag:$0x4], $0x80, s15, s9, $0xb8;
	[tilespmem:$0x1D080] =	vst v63  }
0x62: {  	_ =	swait.ge [sflag:s8], $0x2800  }
0x63: {  	[sflag:s8] =	ssyncset.done $0x0  }
0x64: {  	s30 =	sadd.s32 $0x0, s5;
	[sflag:s8] =	ssyncadd.s32 $0xFFFFD800  }
0x65: {  	v3 =	vor.u32 s30, v2;
	s20 =	sadd.s32 $0x40, s30;
	[bflag:$0x0] =	sbarrier.arrive $0xFFFF  }
0x66: {  	s19 =	sadd.s32 $0x10, s30;
	v4 =	vor.u32 s20, v2;
	[tilespmem:$0x4000] =	vst v3  }
0x67: {  	s31 =	sadd.s32 $0x30, s30;
	v3 =	vor.u32 s19, v2;
	[tilespmem:$0x4040] =	vst v4  }
0x68: {  	s18 =	sadd.s32 $0x20, s30;
	[tilespmem:$0x4010] =	vst v3;
	v3 =	vor.u32 s31, v2  }
0x69: {  	[tilespmem:$0x4030] =	vst v3;
	v3 =	vor.u32 s18, v2  }
0x6a: {  	[tilespmem:$0x4020] =	vst v3  }
0x6b: {  	[tilespmem:s11], [sflag:$0x1] =	stream.indirect.gather [spmem:s1], $0x80, s10, s9, $0xb8;
	[tilespmem:$0x1D080] =	vst v63  }
0x6c: {  	_ =	swait.ge [sflag:s16], $0x2800  }
0x6d: {  	s20 =	smov.u32 s7;
	[sflag:s16] =	ssyncset.done $0x0  }
0x6e: {  	s19 =	sadd.s32 $0x500, s7;
	s18 =	simm.s32 $0x50;
	[sflag:s16] =	ssyncadd.s32 $0xFFFFD800  }
.LBB2_10:
0x6f: {  	[hbm4b:s20+s2] =	stream.linear.scatter [tilespmem:s11], [sflag:$0x4], $0x2800, $0x38;
	[tilespmem:$0x1D080] =	vst v63  }
0x70: {  	s21 =	smov.u32 s18;
	s20 =	smov.u32 s19  }
0x71: {  	p0 =	sne.s32 s18, $0x230;
	s18 =	sadd.s32 $0x50, s18;
	_ =	swait.ge [sflag:s8], $0x2800  }
0x72: {  	s21 =	sadd.s32 s21, s5;
	[sflag:s8] =	ssyncset.done $0x0  }
0x73: {  	v3 =	vor.u32 s21, v2;
	s22 =	sadd.s32 $0x10, s21;
	s23 =	sadd.s32 $0x20, s21;
	[sflag:s8] =	ssyncadd.s32 $0xFFFFD800  }
0x74: {  	v4 =	vor.u32 s23, v2;
	[tilespmem:$0x4000] =	vst v3;
	v3 =	vor.u32 s22, v2;
	s22 =	sadd.s32 $0x30, s21;
	s21 =	sadd.s32 $0x40, s21  }
0x75: {  	[tilespmem:$0x4010] =	vst v3;
	v3 =	vor.u32 s22, v2;
	v5 =	vor.u32 s21, v2  }
0x76: {  	[tilespmem:$0x4030] =	vst v3  }
0x77: {  	[tilespmem:$0x4040] =	vst v5  }
.Ltmp4:
0x78: {  	[tilespmem:$0x4020] =	vst v4;
	(pc) =	sbr.rel @p0 .LBB2_10-.Ltmp4, $4  }
0x79: {  	[tilespmem:s11], [sflag:$0x1] =	stream.indirect.gather [spmem:s1], $0x80, s10, s9, $0xb8;
	[tilespmem:$0x1D080] =	vst v63  }
0x7a: {  	_ =	swait.ge [sflag:s16], $0x2800  }
0x7b: {  	[sflag:s16] =	ssyncset.done $0x0  }
0x7c: {  	s19 =	sadd.s32 $0x500, s19;
	[sflag:s16] =	ssyncadd.s32 $0xFFFFD800  }
0x7d: {  	s17 =	sadd.s32 $0x1, s17  }
0x7e: {  	p0 =	sne.s32 s17, s6  }
.Ltmp5:
0x7f: {  	_ = 	snop;
	(pc) =	sbr.rel @p0 .LBB2_1-.Ltmp5, $4  }
0x80: {  	[hbm4b:s20+s2] =	stream.linear.scatter [tilespmem:s11], [sflag:$0x4], $0x2800, $0x38;
	[tilespmem:$0x1D080] =	vst v63  }
0x81: {  	_ =	swait.ge [sflag:s8], $0x2800  }
0x82: {  	[sflag:s8] =	ssyncset.done $0x0  }
0x83: {  	[sflag:s8] =	ssyncadd.s32 $0xFFFFD800  }
0x84: {  	_ =	sfence.sel $0x180000  }
0x85: {  	[bflag:$0x0] =	sbarrier.arrive $0xFFFF  }
0x86: {  	p0 =	sne.s32 s3, $0x0;
	_ =	strace $0x90000047  }
0x87: {  	s0 =	sadd.s32 @!p0 $0x100000, s0;
	[bflag:$0x2] =	sbarrier.arrive $0xFFFF  }
0x88: {  	[sflag:s0] =	ssyncadd.tile.s32 @!p0 $0x1;
	_ =	shalt  }
.Lfunc_end2:
_tile_overlayer_lowered:
.L_overlay_start_2:
0x89: {  	(tag) =	ssettag $0x2  }
0x8a: {  	s0 =	rddreg [dreg:$0x0];
	s2 =	stileid.u32  }
0x8b: {  	s1 =	rddreg [dreg:$0x1];
	p0 =	sne.s32 s2, $0x0  }
0x8c: {  	s3 =	rddreg [dreg:$0x2];
	[bflag:$0x3] =	sbarrier.arrive $0xFFFF;
	s2 =	simm.s32 @!p0 $0x1C04  }
0x8d: {  	[timem:s3], [sflag:s2] =	dma.local @!p0 [hbm:s0], s1  }
0x8e: {  	s0 =	simm.s32 @!p0 $0x4  }
0x8f: {  	_ =	swait.ge @!p0 [sflag:s0], s1  }
0x90: {  	s1 =	ssub.s32 @!p0 $0x0, s1;
	[sflag:s0] =	ssyncset.done @!p0 $0x0  }
0x91: {  	[sflag:s0] =	ssyncadd.s32 @!p0 s1  }
0x92: {  	[bflag:$0x3] =	sbarrier.arrive $0xFFFF  }
0x93: {  	_ =	shalt  }

</sc_bundles>
